<compile_context>
chip_gen: v7x
topology: tpu7x:2x2x1
jax: 0.10.2.dev20260603
libtpu: 0.0.44.dev20260713+nightly
codegen_flags: <defaults>
</compile_context>

<pallas_src>
import functools

import jax
import jax.numpy as jnp
from jax import lax
from jax.experimental import pallas as pl
from jax.experimental.pallas import tpu as pltpu
from jax.experimental.pallas import tpu_sc as plsc

K = 8192
C = 64
BETA_ = 0.25

NC, NS = 2, 16
NW = NC * NS


_TN = 1024


def _argmax_body(f_ref, w_ref, idx_ref, wn_ref):
    @pl.when(pl.program_id(0) == 0)
    def _():
        w = w_ref[...]
        n = jnp.sqrt(jnp.sum(w * w, axis=1, keepdims=True))
        wn_ref[...] = w / jnp.maximum(n, 1e-12)

    f = f_ref[...]
    fn = jnp.sqrt(jnp.sum(f * f, axis=1, keepdims=True))
    f = f / jnp.maximum(fn, 1e-12)
    wn = wn_ref[...]
    s = lax.dot_general(f, wn, (((1,), (1,)), ((), ())),
                        preferred_element_type=jnp.float32)
    idx = jnp.argmax(s, axis=1)
    idx_ref[0, 0, :] = idx.astype(jnp.int32)


def _argmax_call(f_NxC, W, n_tokens):
    nb = n_tokens // _TN
    out = pl.pallas_call(
        _argmax_body,
        grid=(nb,),
        in_specs=[
            pl.BlockSpec((_TN, C), lambda i: (i, 0)),
            pl.BlockSpec((K, C), lambda i: (0, 0)),
        ],
        out_specs=pl.BlockSpec((1, 1, _TN), lambda i: (i, 0, 0)),
        out_shape=jax.ShapeDtypeStruct((nb, 1, _TN), jnp.int32),
        scratch_shapes=[pltpu.VMEM((K, C), jnp.float32)],
    )(f_NxC, W)
    return out.reshape(n_tokens)


def _sc_body(w_hbm, idx_hbm, ones_hbm, zeros_hbm, fhat_hbm, counts_hbm,
             idx_v, rows_v, ones_v, cnt_sh, sem_g, sem_z, sem_o, sem_w, bpw):
    cid = lax.axis_index("c")
    sid = lax.axis_index("s")
    wid = sid * NC + cid
    base = wid * bpw
    rows_per_tile = K // NS

    zcp = pltpu.async_copy(zeros_hbm,
                           cnt_sh.at[pl.ds(sid * rows_per_tile,
                                           rows_per_tile)], sem_z)
    ocp = pltpu.async_copy(ones_hbm, ones_v, sem_o)

    pltpu.sync_copy(idx_hbm.at[pl.ds(base, bpw)], idx_v)
    gcp = pltpu.async_copy(w_hbm.at[idx_v], rows_v, sem_g)

    zcp.wait()
    ocp.wait()
    plsc.subcore_barrier()

    gcp.wait()
    wcp = pltpu.async_copy(rows_v, fhat_hbm.at[pl.ds(base, bpw)], sem_w)

    pltpu.sync_copy(ones_v, cnt_sh.at[idx_v], add=True)
    plsc.subcore_barrier()

    pltpu.sync_copy(cnt_sh.at[pl.ds(sid * rows_per_tile, rows_per_tile)],
                    counts_hbm.at[cid, pl.ds(sid * rows_per_tile,
                                             rows_per_tile)])
    wcp.wait()


def _sc_gather_counts(W, idx, n_tokens):
    bpw = n_tokens // NW
    rows_per_tile = K // NS
    mesh = plsc.VectorSubcoreMesh(core_axis_name="c", subcore_axis_name="s")
    fn = pl.kernel(
        functools.partial(_sc_body, bpw=bpw),
        out_type=(jax.ShapeDtypeStruct((n_tokens, C), jnp.float32),
                  jax.ShapeDtypeStruct((NC, K, 16), jnp.float32)),
        mesh=mesh,
        scratch_types=[
            pltpu.VMEM((bpw,), jnp.int32),
            pltpu.VMEM((bpw, C), jnp.float32),
            pltpu.VMEM((bpw, 16), jnp.float32),
            pltpu.VMEM_SHARED((K, 16), jnp.float32),
            pltpu.SemaphoreType.DMA,
            pltpu.SemaphoreType.DMA,
            pltpu.SemaphoreType.DMA,
            pltpu.SemaphoreType.DMA,
        ],
        compiler_params=pltpu.CompilerParams(use_tc_tiling_on_sc=False),
    )
    ones = jnp.ones((bpw, 16), jnp.float32)
    zeros = jnp.zeros((rows_per_tile, 16), jnp.float32)
    return fn(W, idx, ones, zeros)


_LB = 4


def _loss_body(f_ref, fhat_ref, cnt_ref, vq_ref, use_ref, n_elems):
    i = pl.program_id(0)
    d = fhat_ref[...] - f_ref[...]
    part = jnp.sum(d * d) * ((1.0 + BETA_) / n_elems)

    @pl.when(i == 0)
    def _():
        vq_ref[0, 0] = 0.0
        c = cnt_ref[pl.ds(0, K * 16)] + cnt_ref[pl.ds(K * 16, K * 16)]
        flags = jnp.where(c > 0.0, 1.0, 0.0)
        use_ref[0, 0] = jnp.sum(flags) * (100.0 / (16.0 * K))

    vq_ref[0, 0] += part


def _losses(f_BhwC, fhat_BhwC, counts_flat):
    b, hh, ww, cc = f_BhwC.shape
    n_elems = b * hh * ww * cc
    nb = b // _LB
    return pl.pallas_call(
        functools.partial(_loss_body, n_elems=n_elems),
        grid=(nb,),
        in_specs=[
            pl.BlockSpec((_LB, hh, ww, cc), lambda i: (i, 0, 0, 0)),
            pl.BlockSpec((_LB, hh, ww, cc), lambda i: (i, 0, 0, 0)),
            pl.BlockSpec((NC * K * 16,), lambda i: (0,)),
        ],
        out_specs=(pl.BlockSpec(memory_space=pltpu.SMEM),
                   pl.BlockSpec(memory_space=pltpu.SMEM)),
        out_shape=(jax.ShapeDtypeStruct((1, 1), jnp.float32),
                   jax.ShapeDtypeStruct((1, 1), jnp.float32)),
    )(f_BhwC, fhat_BhwC, counts_flat)


def kernel(f_BChw, W):
    f_BChw = f_BChw.astype(jnp.float32)
    B, Cc, h, w = f_BChw.shape
    n_tokens = B * h * w
    f_BhwC = f_BChw.transpose(0, 2, 3, 1)
    f_NxC = f_BhwC.reshape(n_tokens, Cc)

    idx = _argmax_call(f_NxC, W, n_tokens)
    fhat_NxC, counts = _sc_gather_counts(W, idx, n_tokens)
    fhat_BhwC = fhat_NxC.reshape(B, h, w, Cc)
    vq, use = _losses(f_BhwC, fhat_BhwC, counts.reshape(NC * K * 16))

    fhat_BChw = fhat_BhwC.transpose(0, 3, 1, 2)
    return (fhat_BChw, vq[0, 0], jnp.float32(0.0), use[0, 0])

# --- scband reference (transcript-rebuilt; emitter-appended) ---
"""Pipeline reference for scband-vector-quantizer-76295799046539 (READ-ONLY COPY).

The authoritative reference and input builder live on the scoring server;
editing this copy changes nothing except your own understanding.
"""

import jax, jax.numpy as jnp
import numpy as np

VOCAB_SIZE = 8192
VOCAB_WIDTH = 64
BETA = 0.25


def setup_inputs(seed: int = 0) -> dict:
    key = jax.random.key(seed)
    k1, k2 = jax.random.split(key)
    f_BChw = jax.random.normal(k1, (16, 64, 24, 24), dtype=jnp.float32)
    # embedding table (nn.Embedding default init ~ N(0,1); scale a bit like trunc_normal)
    W = jax.random.normal(k2, (VOCAB_SIZE, VOCAB_WIDTH), dtype=jnp.float32) * 0.02
    return {"f_BChw": f_BChw, "W": W}


def _normalize(x, axis, eps=1e-12):
    n = jnp.linalg.norm(x, axis=axis, keepdims=True)
    return x / jnp.maximum(n, eps)


def reference(f_BChw, W):
    # vocab_norm=True, using_entropy_loss=False branch of VectorQuantizer.forward
    f_BChw = f_BChw.astype(jnp.float32)
    B, C, h, w = f_BChw.shape
    NxC_no_grad = jax.lax.stop_gradient(f_BChw).transpose(0, 2, 3, 1).reshape(-1, C)
    NxC_no_grad = _normalize(NxC_no_grad, axis=-1)
    # F.normalize(W.T, dim=0) == normalize rows of W, then transpose
    Wn = _normalize(jax.lax.stop_gradient(W), axis=1)
    idx_N = jnp.argmax(NxC_no_grad @ Wn.T, axis=1)
    entropy_loss = jnp.float32(0.0)

    # usage statistics (bincount)
    counts = jnp.bincount(idx_N, length=VOCAB_SIZE).astype(jnp.float32)
    idx_Bhw = idx_N.reshape(B, h, w)
    # embedding lookup -> (B,h,w,C) -> (B,C,h,w)
    fhat_BChw = jnp.take(W, idx_Bhw, axis=0).transpose(0, 3, 1, 2)
    vq_loss = BETA * jnp.mean((jax.lax.stop_gradient(fhat_BChw) - f_BChw) ** 2) \
        + jnp.mean((fhat_BChw - jax.lax.stop_gradient(f_BChw)) ** 2)
    # straight-through estimator
    fhat_BChw = jax.lax.stop_gradient(fhat_BChw - f_BChw) + f_BChw

    prob = counts / jnp.sum(counts)
    vocab_usage = jnp.mean((prob > 0.01 / VOCAB_SIZE).astype(jnp.float32)) * 100.0
    return fhat_BChw, vq_loss, entropy_loss, vocab_usage

if __name__ == "__main__":
    import jax
    _d = setup_inputs()
    print(jax.jit(kernel)(*tuple(_d.values())))

</pallas_src>

<mosaic_0001>
#map = affine_map<(d0, d1) -> (0, 0)>
#map1 = affine_map<(d0, d1) -> (0)>
#map2 = affine_map<(d0, d1) -> (0, 0, 0)>
module attributes {stable_mosaic.version = 14 : i64} {
  func.func @_sc_body(%arg0: i32, %arg1: i32, %arg2: memref<8192x64xf32, #tpu.memory_space<hbm>>, %arg3: memref<9216xi32, #tpu.memory_space<hbm>>, %arg4: memref<288x16xf32, #tpu.memory_space<hbm>>, %arg5: memref<512x16xf32, #tpu.memory_space<hbm>>, %arg6: memref<9216x64xf32, #tpu.memory_space<hbm>>, %arg7: memref<2x8192x16xf32, #tpu.memory_space<hbm>>, %arg8: memref<288xi32, #tpu.memory_space<vmem>>, %arg9: memref<288x64xf32, #tpu.memory_space<vmem>>, %arg10: memref<288x16xf32, #tpu.memory_space<vmem>>, %arg11: memref<8192x16xf32, #tpu.memory_space<vmem_shared>>, %arg12: memref<!tpu.dma_semaphore, #tpu.memory_space<semaphore_mem>>, %arg13: memref<!tpu.dma_semaphore, #tpu.memory_space<semaphore_mem>>, %arg14: memref<!tpu.dma_semaphore, #tpu.memory_space<semaphore_mem>>, %arg15: memref<!tpu.dma_semaphore, #tpu.memory_space<semaphore_mem>>) attributes {dimension_semantics = [#tpu.dimension_semantics<core_parallel>, #tpu.dimension_semantics<subcore_parallel>], iteration_bounds = array<i64: 2, 16>, scalar_prefetch = 0 : i64, scratch_operands = 8 : i64, tpu.core_type = #tpu.core_type<sc_vector_subcore>, window_params = [{transform_indices = #map}, {transform_indices = #map1}, {transform_indices = #map}, {transform_indices = #map}, {transform_indices = #map}, {transform_indices = #map2}]} {
    %mul3A = arith.constant 2 : i32
    %mul3A_0 = arith.muli %arg1, %mul3A : i32
    %add3A = arith.addi %mul3A_0, %arg0 : i32
    %mul3A_1 = arith.constant 288 : i32
    %mul3A_2 = arith.muli %add3A, %mul3A_1 : i32
    %mul3A_3 = arith.constant 512 : i32
    %mul3A_4 = arith.muli %arg1, %mul3A_3 : i32
    %dma_start3A = arith.constant 0 : i32
    %dma_start3A_5 = tpu.memref_slice %arg11[%mul3A_4, %dma_start3A] : memref<8192x16xf32, #tpu.memory_space<vmem_shared>> -> memref<512x16xf32, #tpu.memory_space<vmem_shared>>
    tpu.enqueue_dma source(%arg5 : memref<512x16xf32, #tpu.memory_space<hbm>>) target(%dma_start3A_5 : memref<512x16xf32, #tpu.memory_space<vmem_shared>>) target_semaphore(%arg13 : memref<!tpu.dma_semaphore, #tpu.memory_space<semaphore_mem>>)
    tpu.enqueue_dma source(%arg4 : memref<288x16xf32, #tpu.memory_space<hbm>>) target(%arg10 : memref<288x16xf32, #tpu.memory_space<vmem>>) target_semaphore(%arg14 : memref<!tpu.dma_semaphore, #tpu.memory_space<semaphore_mem>>)
    "tpu.region"() ({
      %run_scoped3A = tpu.sem_alloc : memref<!tpu.dma_semaphore, #tpu.memory_space<semaphore_mem>>
      %dma_start3A_26 = tpu.memref_slice %arg3[%mul3A_2] : memref<9216xi32, #tpu.memory_space<hbm>> -> memref<288xi32, #tpu.memory_space<hbm>>
      %dma_start3A_27 = tpu.memref_slice %arg3[%mul3A_2] : memref<9216xi32, #tpu.memory_space<hbm>> -> memref<288xi32, #tpu.memory_space<hbm>>
      tpu.enqueue_dma source(%dma_start3A_27 : memref<288xi32, #tpu.memory_space<hbm>>) target(%arg8 : memref<288xi32, #tpu.memory_space<vmem>>) target_semaphore(%run_scoped3A : memref<!tpu.dma_semaphore, #tpu.memory_space<semaphore_mem>>)
      %dma_wait3A_28 = tpu.memref_slice %arg3[%mul3A_2] : memref<9216xi32, #tpu.memory_space<hbm>> -> memref<288xi32, #tpu.memory_space<hbm>>
      %dma_wait3A_29 = tpu.memref_slice %arg3[%mul3A_2] : memref<9216xi32, #tpu.memory_space<hbm>> -> memref<288xi32, #tpu.memory_space<hbm>>
      tpu.wait_dma2 semaphore(%run_scoped3A : memref<!tpu.dma_semaphore, #tpu.memory_space<semaphore_mem>>) src(%dma_wait3A_29 : memref<288xi32, #tpu.memory_space<hbm>>) dst(%arg8 : memref<288xi32, #tpu.memory_space<vmem>>)
      tpu.yield
    }) : () -> ()
    %dma_start3A_6 = arith.constant 0 : i32
    %dma_start3A_7 = arith.constant 0 : i32
    %dma_start3A_8 = tpu.memref_slice %arg2[%dma_start3A_6, %dma_start3A_7] : memref<8192x64xf32, #tpu.memory_space<hbm>> -> memref<8192x64xf32, #tpu.memory_space<hbm>>
    tpu.enqueue_indirect_dma source(%dma_start3A_8 : memref<8192x64xf32, #tpu.memory_space<hbm>>) target(%arg9 : memref<288x64xf32, #tpu.memory_space<vmem>>) offsets(%arg8 : memref<288xi32, #tpu.memory_space<vmem>>) semaphore(%arg12 : memref<!tpu.dma_semaphore, #tpu.memory_space<semaphore_mem>>)
    %dma_wait3A = arith.constant 0 : i32
    %dma_wait3A_9 = tpu.memref_slice %arg11[%mul3A_4, %dma_wait3A] : memref<8192x16xf32, #tpu.memory_space<vmem_shared>> -> memref<512x16xf32, #tpu.memory_space<vmem_shared>>
    tpu.wait_dma2 semaphore(%arg13 : memref<!tpu.dma_semaphore, #tpu.memory_space<semaphore_mem>>) src(%arg5 : memref<512x16xf32, #tpu.memory_space<hbm>>) dst(%dma_wait3A_9 : memref<512x16xf32, #tpu.memory_space<vmem_shared>>)
    tpu.wait_dma2 semaphore(%arg14 : memref<!tpu.dma_semaphore, #tpu.memory_space<semaphore_mem>>) src(%arg4 : memref<288x16xf32, #tpu.memory_space<hbm>>) dst(%arg10 : memref<288x16xf32, #tpu.memory_space<vmem>>)
    %barrier3A = arith.constant 0 : index
    tpu.barrier barrier_id(%barrier3A)
    %dma_wait3A_10 = arith.constant 0 : i32
    %dma_wait3A_11 = arith.constant 0 : i32
    %dma_wait3A_12 = tpu.memref_slice %arg2[%dma_wait3A_10, %dma_wait3A_11] : memref<8192x64xf32, #tpu.memory_space<hbm>> -> memref<8192x64xf32, #tpu.memory_space<hbm>>
    tpu.wait_indirect_dma semaphore(%arg12 : memref<!tpu.dma_semaphore, #tpu.memory_space<semaphore_mem>>) src(%dma_wait3A_12 : memref<8192x64xf32, #tpu.memory_space<hbm>>) dst(%arg9 : memref<288x64xf32, #tpu.memory_space<vmem>>)
    %dma_start3A_13 = arith.constant 0 : i32
    %dma_start3A_14 = tpu.memref_slice %arg6[%mul3A_2, %dma_start3A_13] : memref<9216x64xf32, #tpu.memory_space<hbm>> -> memref<288x64xf32, #tpu.memory_space<hbm>>
    %dma_start3A_15 = arith.constant 0 : i32
    %dma_start3A_16 = tpu.memref_slice %arg6[%mul3A_2, %dma_start3A_15] : memref<9216x64xf32, #tpu.memory_space<hbm>> -> memref<288x64xf32, #tpu.memory_space<hbm>>
    tpu.enqueue_dma source(%arg9 : memref<288x64xf32, #tpu.memory_space<vmem>>) target(%dma_start3A_16 : memref<288x64xf32, #tpu.memory_space<hbm>>) target_semaphore(%arg15 : memref<!tpu.dma_semaphore, #tpu.memory_space<semaphore_mem>>)
    "tpu.region"() ({
      %run_scoped3A = tpu.sem_alloc : memref<!tpu.dma_semaphore, #tpu.memory_space<semaphore_mem>>
      %dma_start3A_26 = arith.constant 0 : i32
      %dma_start3A_27 = arith.constant 0 : i32
      %dma_start3A_28 = tpu.memref_slice %arg11[%dma_start3A_26, %dma_start3A_27] : memref<8192x16xf32, #tpu.memory_space<vmem_shared>> -> memref<8192x16xf32, #tpu.memory_space<vmem_shared>>
      tpu.enqueue_indirect_dma source(%arg10 : memref<288x16xf32, #tpu.memory_space<vmem>>) target(%dma_start3A_28 : memref<8192x16xf32, #tpu.memory_space<vmem_shared>>) offsets(%arg8 : memref<288xi32, #tpu.memory_space<vmem>>) semaphore(%run_scoped3A : memref<!tpu.dma_semaphore, #tpu.memory_space<semaphore_mem>>) {add = true}
      %dma_wait3A_29 = arith.constant 0 : i32
      %dma_wait3A_30 = arith.constant 0 : i32
      %dma_wait3A_31 = tpu.memref_slice %arg11[%dma_wait3A_29, %dma_wait3A_30] : memref<8192x16xf32, #tpu.memory_space<vmem_shared>> -> memref<8192x16xf32, #tpu.memory_space<vmem_shared>>
      tpu.wait_indirect_dma semaphore(%run_scoped3A : memref<!tpu.dma_semaphore, #tpu.memory_space<semaphore_mem>>) src(%arg10 : memref<288x16xf32, #tpu.memory_space<vmem>>) dst(%dma_wait3A_31 : memref<8192x16xf32, #tpu.memory_space<vmem_shared>>)
      tpu.yield
    }) : () -> ()
    %barrier3A_17 = arith.constant 0 : index
    tpu.barrier barrier_id(%barrier3A_17)
    %mul3A_18 = arith.constant 512 : i32
    %mul3A_19 = arith.muli %arg1, %mul3A_18 : i32
    %mul3A_20 = arith.constant 512 : i32
    %mul3A_21 = arith.muli %arg1, %mul3A_20 : i32
    "tpu.region"() ({
      %run_scoped3A = tpu.sem_alloc : memref<!tpu.dma_semaphore, #tpu.memory_space<semaphore_mem>>
      %dma_start3A_26 = arith.constant 0 : i32
      %dma_start3A_27 = tpu.memref_slice %arg7[%arg0, %mul3A_21, %dma_start3A_26] : memref<2x8192x16xf32, #tpu.memory_space<hbm>> -> memref<1x512x16xf32, #tpu.memory_space<hbm>>
      %dma_start3A_28 = tpu.memref_squeeze %dma_start3A_27 : memref<1x512x16xf32, #tpu.memory_space<hbm>> -> memref<512x16xf32, #tpu.memory_space<hbm>>
      %dma_start3A_29 = arith.constant 0 : i32
      %dma_start3A_30 = tpu.memref_slice %arg11[%mul3A_19, %dma_start3A_29] : memref<8192x16xf32, #tpu.memory_space<vmem_shared>> -> memref<512x16xf32, #tpu.memory_space<vmem_shared>>
      tpu.enqueue_dma source(%dma_start3A_30 : memref<512x16xf32, #tpu.memory_space<vmem_shared>>) target(%dma_start3A_28 : memref<512x16xf32, #tpu.memory_space<hbm>>) target_semaphore(%run_scoped3A : memref<!tpu.dma_semaphore, #tpu.memory_space<semaphore_mem>>)
      %dma_wait3A_31 = arith.constant 0 : i32
      %dma_wait3A_32 = tpu.memref_slice %arg7[%arg0, %mul3A_21, %dma_wait3A_31] : memref<2x8192x16xf32, #tpu.memory_space<hbm>> -> memref<1x512x16xf32, #tpu.memory_space<hbm>>
      %dma_wait3A_33 = tpu.memref_squeeze %dma_wait3A_32 : memref<1x512x16xf32, #tpu.memory_space<hbm>> -> memref<512x16xf32, #tpu.memory_space<hbm>>
      %dma_wait3A_34 = arith.constant 0 : i32
      %dma_wait3A_35 = tpu.memref_slice %arg11[%mul3A_19, %dma_wait3A_34] : memref<8192x16xf32, #tpu.memory_space<vmem_shared>> -> memref<512x16xf32, #tpu.memory_space<vmem_shared>>
      tpu.wait_dma2 semaphore(%run_scoped3A : memref<!tpu.dma_semaphore, #tpu.memory_space<semaphore_mem>>) src(%dma_wait3A_35 : memref<512x16xf32, #tpu.memory_space<vmem_shared>>) dst(%dma_wait3A_33 : memref<512x16xf32, #tpu.memory_space<hbm>>)
      tpu.yield
    }) : () -> ()
    %dma_wait3A_22 = arith.constant 0 : i32
    %dma_wait3A_23 = tpu.memref_slice %arg6[%mul3A_2, %dma_wait3A_22] : memref<9216x64xf32, #tpu.memory_space<hbm>> -> memref<288x64xf32, #tpu.memory_space<hbm>>
    %dma_wait3A_24 = arith.constant 0 : i32
    %dma_wait3A_25 = tpu.memref_slice %arg6[%mul3A_2, %dma_wait3A_24] : memref<9216x64xf32, #tpu.memory_space<hbm>> -> memref<288x64xf32, #tpu.memory_space<hbm>>
    tpu.wait_dma2 semaphore(%arg15 : memref<!tpu.dma_semaphore, #tpu.memory_space<semaphore_mem>>) src(%arg9 : memref<288x64xf32, #tpu.memory_space<vmem>>) dst(%dma_wait3A_25 : memref<288x64xf32, #tpu.memory_space<hbm>>)
    return
  }
}

module attributes {stable_mosaic.version = 14 : i64} {
  func.func @_argmax_body(%arg0: i32, %arg1: memref<1024x64xf32, #tpu.memory_space<vmem>>, %arg2: memref<8192x64xf32, #tpu.memory_space<vmem>>, %arg3: memref<1x1x1024xi32, #tpu.memory_space<vmem>>, %arg4: memref<8192x64xf32, #tpu.memory_space<vmem>>) attributes {dimension_semantics = [#tpu.dimension_semantics<arbitrary>], iteration_bounds = array<i64: 9>, scalar_prefetch = 0 : i64, scratch_operands = 1 : i64, tpu.core_type = #tpu.core_type<tc>, window_params = [{transform_indices = @transform_0, window_bounds = array<i64: 1024, 64>}, {pipeline_mode = #tpu.pipeline_mode<synchronous>, transform_indices = @transform_1, window_bounds = array<i64: 8192, 64>}, {transform_indices = @transform_2, window_bounds = array<i64: 1, 1, 1024>}]} {
    %eq3A = arith.constant 0 : i32
    %eq3A_0 = arith.cmpi eq, %arg0, %eq3A : i32
    %convert_element_type3A = arith.extui %eq3A_0 : i1 to i32
    %cond3A = arith.constant 0 : i32
    %cond3A_1 = arith.cmpi ne, %convert_element_type3A, %cond3A : i32
    scf.if %cond3A_1 {
      %get3A_17 = arith.constant 0 : index
      %get3A_18 = arith.constant 0 : index
      %get3A_19 = vector.load %arg2[%get3A_17, %get3A_18] : memref<8192x64xf32, #tpu.memory_space<vmem>>, vector<8192x64xf32>
      %mul3A_20 = arith.mulf %get3A_19, %get3A_19 : vector<8192x64xf32>
      %reduce_sum3A_21 = arith.constant dense<0.000000e+00> : vector<8192xf32>
      %reduce_sum3A_22 = vector.multi_reduction <add>, %mul3A_20, %reduce_sum3A_21 [1] : vector<8192x64xf32> to vector<8192xf32>
      %broadcast_in_dim3A_23 = vector.shape_cast %reduce_sum3A_22 : vector<8192xf32> to vector<8192x1xf32>
      %sqrt3A_24 = math.sqrt %broadcast_in_dim3A_23 : vector<8192x1xf32>
      %max3A_25 = arith.constant 9.99999996E-13 : f32
      %max3A_26 = vector.broadcast %max3A_25 : f32 to vector<8192x1xf32>
      %max3A_27 = arith.maximumf %sqrt3A_24, %max3A_26 : vector<8192x1xf32>
      %div3A_28 = vector.broadcast %max3A_27 : vector<8192x1xf32> to vector<8192x64xf32>
      %div3A_29 = arith.divf %get3A_19, %div3A_28 : vector<8192x64xf32>
      %swap3A_30 = arith.constant 0 : index
      %swap3A_31 = arith.constant 0 : index
      %swap3A_32 = vector.load %arg4[%swap3A_30, %swap3A_31] : memref<8192x64xf32, #tpu.memory_space<vmem>>, vector<8192x64xf32>
      tpu.vector_store %arg4[%swap3A_30, %swap3A_31], %div3A_29 {strides = array<i32>} : memref<8192x64xf32, #tpu.memory_space<vmem>>, vector<8192x64xf32>,
    } else {
    }
    %get3A = arith.constant 0 : index
    %get3A_2 = arith.constant 0 : index
    %get3A_3 = vector.load %arg1[%get3A, %get3A_2] : memref<1024x64xf32, #tpu.memory_space<vmem>>, vector<1024x64xf32>
    %mul3A = arith.mulf %get3A_3, %get3A_3 : vector<1024x64xf32>
    %reduce_sum3A = arith.constant dense<0.000000e+00> : vector<1024xf32>
    %reduce_sum3A_4 = vector.multi_reduction <add>, %mul3A, %reduce_sum3A [1] : vector<1024x64xf32> to vector<1024xf32>
    %broadcast_in_dim3A = vector.shape_cast %reduce_sum3A_4 : vector<1024xf32> to vector<1024x1xf32>
    %sqrt3A = math.sqrt %broadcast_in_dim3A : vector<1024x1xf32>
    %max3A = arith.constant 9.99999996E-13 : f32
    %max3A_5 = vector.broadcast %max3A : f32 to vector<1024x1xf32>
    %max3A_6 = arith.maximumf %sqrt3A, %max3A_5 : vector<1024x1xf32>
    %div3A = vector.broadcast %max3A_6 : vector<1024x1xf32> to vector<1024x64xf32>
    %div3A_7 = arith.divf %get3A_3, %div3A : vector<1024x64xf32>
    %get3A_8 = arith.constant 0 : index
    %get3A_9 = arith.constant 0 : index
    %get3A_10 = vector.load %arg4[%get3A_8, %get3A_9] : memref<8192x64xf32, #tpu.memory_space<vmem>>, vector<8192x64xf32>
    %dot_general3A = arith.constant dense<0.000000e+00> : vector<1024x8192xf32>
    %dot_general3A_11 = tpu.matmul %div3A_7, %get3A_10, %dot_general3A {dimension_numbers = #tpu.dot_dimension_numbers<[1], [1], [0], [0], [0, 0, 1, 0], [], []>, transpose_lhs_hint = false} : vector<1024x64xf32>, vector<8192x64xf32>, vector<1024x8192xf32> -> vector<1024x8192xf32>
    %argmax3A = tpu.reduce_index %dot_general3A_11 {axis = 1 : i32, kind = #tpu.reduction_kind<arg_max>} : vector<1024x8192xf32> -> vector<1024xi32>
    %swap3A = arith.constant 0 : index
    %swap3A_12 = arith.constant 0 : index
    %swap3A_13 = arith.constant 0 : index
    %swap3A_14 = vector.load %arg3[%swap3A, %swap3A_12, %swap3A_13] : memref<1x1x1024xi32, #tpu.memory_space<vmem>>, vector<1x1x1024xi32>
    %swap3A_15 = vector.shape_cast %swap3A_14 : vector<1x1x1024xi32> to vector<1024xi32>
    %swap3A_16 = vector.shape_cast %argmax3A : vector<1024xi32> to vector<1x1x1024xi32>
    tpu.vector_store %arg3[%swap3A, %swap3A_12, %swap3A_13], %swap3A_16 {strides = array<i32>} : memref<1x1x1024xi32, #tpu.memory_space<vmem>>, vector<1x1x1024xi32>,
    return
  }
  func.func @transform_0(%arg0: i32) -> (i32, i32) {
    %c0_i32 = arith.constant 0 : i32
    %c0_i32_0 = arith.constant 0 : i32
    return %arg0, %c0_i32 : i32, i32
  }
  func.func @transform_1(%arg0: i32) -> (i32, i32) {
    %c0_i32 = arith.constant 0 : i32
    %c0_i32_0 = arith.constant 0 : i32
    %c0_i32_1 = arith.constant 0 : i32
    return %c0_i32, %c0_i32_0 : i32, i32
  }
  func.func @transform_2(%arg0: i32) -> (i32, i32, i32) {
    %c0_i32 = arith.constant 0 : i32
    %c0_i32_0 = arith.constant 0 : i32
    %c0_i32_1 = arith.constant 0 : i32
    return %arg0, %c0_i32, %c0_i32_0 : i32, i32, i32
  }
}

module attributes {stable_mosaic.version = 14 : i64} {
  func.func @_loss_body(%arg0: i32, %arg1: memref<4x24x24x64xf32, #tpu.memory_space<vmem>>, %arg2: memref<4x24x24x64xf32, #tpu.memory_space<vmem>>, %arg3: memref<262144xf32, #tpu.memory_space<vmem>>, %arg4: memref<1x1xf32, #tpu.memory_space<smem>>, %arg5: memref<1x1xf32, #tpu.memory_space<smem>>) attributes {dimension_semantics = [#tpu.dimension_semantics<arbitrary>], iteration_bounds = array<i64: 4>, scalar_prefetch = 0 : i64, scratch_operands = 0 : i64, tpu.core_type = #tpu.core_type<tc>, window_params = [{transform_indices = @transform_0, window_bounds = array<i64: 4, 24, 24, 64>}, {transform_indices = @transform_1, window_bounds = array<i64: 4, 24, 24, 64>}, {pipeline_mode = #tpu.pipeline_mode<synchronous>, transform_indices = @transform_2, window_bounds = array<i64: 262144>}, {transform_indices = @transform_3, window_bounds = array<i64: 1, 1>}, {transform_indices = @transform_4, window_bounds = array<i64: 1, 1>}]} {
    %get3A = arith.constant 0 : index
    %get3A_0 = arith.constant 0 : index
    %get3A_1 = arith.constant 0 : index
    %get3A_2 = arith.constant 0 : index
    %get3A_3 = vector.load %arg2[%get3A, %get3A_0, %get3A_1, %get3A_2] : memref<4x24x24x64xf32, #tpu.memory_space<vmem>>, vector<4x24x24x64xf32>
    %get3A_4 = arith.constant 0 : index
    %get3A_5 = arith.constant 0 : index
    %get3A_6 = arith.constant 0 : index
    %get3A_7 = arith.constant 0 : index
    %get3A_8 = vector.load %arg1[%get3A_4, %get3A_5, %get3A_6, %get3A_7] : memref<4x24x24x64xf32, #tpu.memory_space<vmem>>, vector<4x24x24x64xf32>
    %sub3A = arith.subf %get3A_3, %get3A_8 : vector<4x24x24x64xf32>
    %mul3A = arith.mulf %sub3A, %sub3A : vector<4x24x24x64xf32>
    %reduce_sum3A = vector.shape_cast %mul3A : vector<4x24x24x64xf32> to vector<1x4x24x24x64xf32>
    %reduce_sum3A_9 = arith.constant dense<0.000000e+00> : vector<1xf32>
    %reduce_sum3A_10 = vector.multi_reduction <add>, %reduce_sum3A, %reduce_sum3A_9 [1, 2, 3, 4] : vector<1x4x24x24x64xf32> to vector<1xf32>
    %reduce_sum3A_11 = vector.shape_cast %reduce_sum3A_10 : vector<1xf32> to vector<1x1x1x1x1xf32>
    %reduce_sum3A_12 = vector.extract %reduce_sum3A_11[0, 0, 0, 0, 0] : f32 from vector<1x1x1x1x1xf32>
    %mul3A_13 = arith.constant 2.11927636E-6 : f32
    %mul3A_14 = arith.mulf %reduce_sum3A_12, %mul3A_13 : f32
    %eq3A = arith.constant 0 : i32
    %eq3A_15 = arith.cmpi eq, %arg0, %eq3A : i32
    %convert_element_type3A = arith.extui %eq3A_15 : i1 to i32
    %cond3A = arith.constant 0 : i32
    %cond3A_16 = arith.cmpi ne, %convert_element_type3A, %cond3A : i32
    scf.if %cond3A_16 {
      %swap3A_22 = arith.constant 0.000000e+00 : f32
      %swap3A_23 = arith.constant 0 : index
      %swap3A_24 = arith.constant 0 : index
      %swap3A_25 = memref.load %arg4[%swap3A_23, %swap3A_24] : memref<1x1xf32, #tpu.memory_space<smem>>
      memref.store %swap3A_22, %arg4[%swap3A_23, %swap3A_24] : memref<1x1xf32, #tpu.memory_space<smem>>
      %get3A_26 = arith.constant 0 : index
      %get3A_27 = vector.load %arg3[%get3A_26] : memref<262144xf32, #tpu.memory_space<vmem>>, vector<131072xf32>
      %get3A_28 = arith.constant 131072 : index
      %get3A_29 = vector.load %arg3[%get3A_28] : memref<262144xf32, #tpu.memory_space<vmem>>, vector<131072xf32>
      %add3A_30 = arith.addf %get3A_27, %get3A_29 : vector<131072xf32>
      %gt3A = arith.constant 0.000000e+00 : f32
      %gt3A_31 = vector.broadcast %gt3A : f32 to vector<131072xf32>
      %gt3A_32 = arith.cmpf ogt, %add3A_30, %gt3A_31 : vector<131072xf32>
      %jit3A = arith.constant 1.000000e+00 : f32
      %jit3A_33 = arith.constant 0.000000e+00 : f32
      %broadcast_in_dim3A = vector.broadcast %jit3A : f32 to vector<131072xf32>
      %broadcast_in_dim3A_34 = vector.broadcast %jit3A_33 : f32 to vector<131072xf32>
      %select_n3A = arith.select %gt3A_32, %broadcast_in_dim3A, %broadcast_in_dim3A_34 : vector<131072xi1>, vector<131072xf32>
      %reduce_sum3A_35 = vector.shape_cast %select_n3A : vector<131072xf32> to vector<1x131072xf32>
      %reduce_sum3A_36 = arith.constant dense<0.000000e+00> : vector<1xf32>
      %reduce_sum3A_37 = vector.multi_reduction <add>, %reduce_sum3A_35, %reduce_sum3A_36 [1] : vector<1x131072xf32> to vector<1xf32>
      %reduce_sum3A_38 = vector.shape_cast %reduce_sum3A_37 : vector<1xf32> to vector<1x1xf32>
      %reduce_sum3A_39 = vector.extract %reduce_sum3A_38[0, 0] : f32 from vector<1x1xf32>
      %mul3A_40 = arith.constant 7.62939453E-4 : f32
      %mul3A_41 = arith.mulf %reduce_sum3A_39, %mul3A_40 : f32
      %swap3A_42 = arith.constant 0 : index
      %swap3A_43 = arith.constant 0 : index
      %swap3A_44 = memref.load %arg5[%swap3A_42, %swap3A_43] : memref<1x1xf32, #tpu.memory_space<smem>>
      memref.store %mul3A_41, %arg5[%swap3A_42, %swap3A_43] : memref<1x1xf32, #tpu.memory_space<smem>>
    } else {
    }
    %get3A_17 = arith.constant 0 : index
    %get3A_18 = arith.constant 0 : index
    %get3A_19 = memref.load %arg4[%get3A_17, %get3A_18] : memref<1x1xf32, #tpu.memory_space<smem>>
    %add3A = arith.addf %get3A_19, %mul3A_14 : f32
    %swap3A = arith.constant 0 : index
    %swap3A_20 = arith.constant 0 : index
    %swap3A_21 = memref.load %arg4[%swap3A, %swap3A_20] : memref<1x1xf32, #tpu.memory_space<smem>>
    memref.store %add3A, %arg4[%swap3A, %swap3A_20] : memref<1x1xf32, #tpu.memory_space<smem>>
    return
  }
  func.func @transform_0(%arg0: i32) -> (i32, i32, i32, i32) {
    %c0_i32 = arith.constant 0 : i32
    %c0_i32_0 = arith.constant 0 : i32
    %c0_i32_1 = arith.constant 0 : i32
    %c0_i32_2 = arith.constant 0 : i32
    return %arg0, %c0_i32, %c0_i32_0, %c0_i32_1 : i32, i32, i32, i32
  }
  func.func @transform_1(%arg0: i32) -> (i32, i32, i32, i32) {
    %c0_i32 = arith.constant 0 : i32
    %c0_i32_0 = arith.constant 0 : i32
    %c0_i32_1 = arith.constant 0 : i32
    %c0_i32_2 = arith.constant 0 : i32
    return %arg0, %c0_i32, %c0_i32_0, %c0_i32_1 : i32, i32, i32, i32
  }
  func.func @transform_2(%arg0: i32) -> i32 {
    %c0_i32 = arith.constant 0 : i32
    %c0_i32_0 = arith.constant 0 : i32
    return %c0_i32 : i32
  }
  func.func @transform_3(%arg0: i32) -> (i32, i32) {
    %c0_i32 = arith.constant 0 : i32
    %c0_i32_0 = arith.constant 0 : i32
    %c0_i32_1 = arith.constant 0 : i32
    return %c0_i32, %c0_i32_0 : i32, i32
  }
  func.func @transform_4(%arg0: i32) -> (i32, i32) {
    %c0_i32 = arith.constant 0 : i32
    %c0_i32_0 = arith.constant 0 : i32
    %c0_i32_1 = arith.constant 0 : i32
    return %c0_i32, %c0_i32_0 : i32, i32
  }
}

</mosaic_0001>

<sc_bundles>
// kernel: kernel.5.cloned.1.call-start
scs
__scs_entry_jumppad:
0x0: {  	(pc) =	sbr.rel $0x88, $3  }
0x1: {  	(tag) =	ssettag $0x0;
	lr =	simm.s32 $0x1  }
0x2: {  	[smem:$0x3F9F] =	sst lr;
	_ =	strace $0xD0000000  }
0x3: {  	_ = 	snop  }
0x4: {  	_ = 	snop  }
0x5: {  	_ = 	snop  }
0x6: {  	_ = 	snop  }
0x7: {  	_ = 	snop  }
__scs_overlays_trampoline_lowered:
0x8: {  	[smem:$0x3FAE] =	sst s0  }
0x9: {  	[smem:$0x3FAF] =	sst s1  }
0xa: {  	[smem:$0x3FB0] =	sst s2  }
0xb: {  	[smem:$0x3FB1] =	sst s3  }
0xc: {  	[smem:$0x3FB2] =	sst s4  }
0xd: {  	[smem:$0x3FB3] =	sst s5  }
0xe: {  	[smem:$0x3FB4] =	sst s6  }
0xf: {  	[smem:$0x3FB5] =	sst s7  }
0x10: {  	[smem:$0x3FB6] =	sst s8  }
0x11: {  	[smem:$0x3FB7] =	sst s9;
	s0 =	simm.s32 @!p0 $0x0  }
0x12: {  	s1 =	sld [smem:$0x3F9D];
	s0 =	simm.s32 @p0 $0x1  }
0x13: {  	[smem:$0x3FB8] =	sst s0;
	s0 =	simm.s32 @!p1 $0x0  }
0x14: {  	s2 =	sld [smem:$0x3F9C];
	s0 =	simm.s32 @p1 $0x1  }
0x15: {  	[smem:$0x3FB9] =	sst s0;
	s0 =	simm.s32 @!p2 $0x0  }
0x16: {  	s3 =	sld [smem:$0x3FDB];
	s0 =	simm.s32 @p2 $0x1  }
0x17: {  	s4 =	simm.s32 $0x1BF5;
	[smem:$0x3FBB] =	sst s0  }
0x18: {  	s0 =	sld [smem:$0x3F9E];
	_ =	swait.ge [sflag:s4], $0x0  }
0x19: {  	s7 =	sld [smem:$0x3F9F]  }
0x1a: {  	s8 =	sadd.s32 $0xFFFFE003, lr  }
0x1b: {  	s9 =	sadd.s32 $0xFFFFFEF7, lr;
	s5 =	simm.s32 $0xFFFFFFFF;
	p2 =	slt.u32 s8, $0xFFFFF086  }
0x1c: {  	p1 =	slt.u32 s9, $0xF7A;
	s5 =	simm.s32 @!p2 $0x0  }
0x1d: {  	s5 =	simm.s32 @p1 $0x1;
	p0 =	seq.s32 s7, s2  }
0x1e: {  	s7 =	smul.u32 @!p0 $0xF7A, s2;
	p2 =	seq.s32 @!p0 s5, $0x0  }
0x1f: {  	s9 =	smul.u32 $0xF7A, s1;
	s8 =	simm.s32 @!p0 $0x1BF5;
	p2 =	por !p2, p0  }
0x20: {  	[sflag:s8] =	ssyncset.s32 @!p0 $0xFFFFF086;
	s6 =	sadd.s32 @!p0 s3, s7;
	s7 =	simm.s32 @!p0 $0x108  }
0x21: {  	s3 =	sadd.s32 s3, s9;
	s6 =	sadd.s32 @!p0 $0x88, s6;
	s7 =	simm.s32 @p2 $0x1082  }
0x22: {  	[simem:s7], [sflag:s8] =	dma.local @!p0 [hbm:s6], $0xF7A  }
0x23: {  	s9 =	sor.u32 $0xD0000000, s2;
	s6 =	simm.s32 $0x108;
	_ =	swait.ge @!p0 [sflag:s8], $0x0  }
0x24: {  	s3 =	sadd.s32 $0x88, s3;
	s6 =	simm.s32 @!p1 $0x1082;
	[sflag:s4] =	ssyncset.s32 $0xFFFFF086  }
0x25: {  	[simem:s6], [sflag:s4] =	dma.local [hbm:s3], $0xF7A  }
0x26: {  	[smem:$0x3F9F] =	sst s1;
	(tag) =	ssettag s2;
	_ =	strace s9  }
0x27: {  	s1 =	sld [smem:$0x3FAF]  }
0x28: {  	s2 =	sld [smem:$0x3FB0]  }
0x29: {  	s4 =	sld [smem:$0x3FB2]  }
0x2a: {  	p0 =	seq.s32 s5, $0x0;
	s5 =	sld [smem:$0x3FB3]  }
0x2b: {  	s6 =	sld [smem:$0x3FB4]  }
0x2c: {  	s7 =	sld [smem:$0x3FB5]  }
0x2d: {  	s3 =	simm.s32 $0x108;
	s8 =	sld [smem:$0x3FB6]  }
0x2e: {  	s3 =	simm.s32 @!p0 $0x1082;
	s9 =	sld [smem:$0x3FB7]  }
0x2f: {  	lr =	sadd.s32 s0, s3;
	s0 =	sld [smem:$0x3FAE]  }
0x30: {  	s3 =	sld [smem:$0x3FB1]  }
0x31: {  	[smem:$0x3FBA] =	sst s10  }
0x32: {  	s10 =	sld [smem:$0x3FB8];
	_ =	sdelay $0x3  }
0x33: {  	p0 =	seq.s32 s10, $0x1;
	s10 =	sld [smem:$0x3FBA];
	_ =	sdelay $0x3  }
0x34: {  	[smem:$0x3FBA] =	sst s10  }
0x35: {  	s10 =	sld [smem:$0x3FB9];
	_ =	sdelay $0x3  }
0x36: {  	p1 =	seq.s32 s10, $0x1;
	s10 =	sld [smem:$0x3FBA];
	_ =	sdelay $0x3  }
0x37: {  	[smem:$0x3FBA] =	sst s10  }
0x38: {  	s10 =	sld [smem:$0x3FBB]  }
0x39: {  	_ = 	snop;
	(pc) =	sbr.ind lr, $3  }
0x3a: {  	_ = 	snop  }
0x3b: {  	_ = 	snop  }
0x3c: {  	p2 =	seq.s32 s10, $0x1;
	s10 =	sld [smem:$0x3FBA]  }
0x3d: {  	_ =	shalt  }
0x3e: {  	_ =	shalt  }
0x3f: {  	_ =	shalt  }
0x40: {  	_ =	shalt  }
0x41: {  	_ =	shalt  }
0x42: {  	_ =	shalt  }
0x43: {  	_ =	shalt  }
0x44: {  	_ =	shalt  }
0x45: {  	_ =	shalt  }
0x46: {  	_ =	shalt  }
0x47: {  	_ =	shalt  }
0x48: {  	_ =	shalt  }
0x49: {  	_ =	shalt  }
0x4a: {  	_ =	shalt  }
0x4b: {  	_ =	shalt  }
0x4c: {  	_ =	shalt  }
0x4d: {  	_ =	shalt  }
0x4e: {  	_ =	shalt  }
0x4f: {  	_ =	shalt  }
0x50: {  	_ =	shalt  }
0x51: {  	_ =	shalt  }
0x52: {  	_ =	shalt  }
0x53: {  	_ =	shalt  }
0x54: {  	_ =	shalt  }
0x55: {  	_ =	shalt  }
0x56: {  	_ =	shalt  }
0x57: {  	_ =	shalt  }
0x58: {  	_ =	shalt  }
0x59: {  	_ =	shalt  }
0x5a: {  	_ =	shalt  }
0x5b: {  	_ =	shalt  }
0x5c: {  	_ =	shalt  }
0x5d: {  	_ =	shalt  }
0x5e: {  	_ =	shalt  }
0x5f: {  	_ =	shalt  }
0x60: {  	_ =	shalt  }
0x61: {  	_ =	shalt  }
0x62: {  	_ =	shalt  }
0x63: {  	_ =	shalt  }
0x64: {  	_ =	shalt  }
0x65: {  	_ =	shalt  }
0x66: {  	_ =	shalt  }
0x67: {  	_ =	shalt  }
0x68: {  	_ =	shalt  }
0x69: {  	_ =	shalt  }
0x6a: {  	_ =	shalt  }
0x6b: {  	_ =	shalt  }
0x6c: {  	_ =	shalt  }
0x6d: {  	_ =	shalt  }
0x6e: {  	_ =	shalt  }
0x6f: {  	_ =	shalt  }
0x70: {  	_ =	shalt  }
0x71: {  	_ =	shalt  }
0x72: {  	_ =	shalt  }
0x73: {  	_ =	shalt  }
0x74: {  	_ =	shalt  }
0x75: {  	_ =	shalt  }
0x76: {  	_ =	shalt  }
0x77: {  	_ =	shalt  }
0x78: {  	_ =	shalt  }
0x79: {  	_ =	shalt  }
0x7a: {  	_ =	shalt  }
0x7b: {  	_ =	shalt  }
0x7c: {  	_ =	shalt  }
0x7d: {  	_ =	shalt  }
0x7e: {  	_ =	shalt  }
0x7f: {  	_ =	shalt  }
0x80: {  	_ =	shalt  }
0x81: {  	_ =	shalt  }
0x82: {  	_ =	shalt  }
0x83: {  	_ =	shalt  }
0x84: {  	_ =	shalt  }
0x85: {  	_ =	shalt  }
0x86: {  	_ =	shalt  }
0x87: {  	_ =	shalt  }
.Lfunc_end0:
.L_simem_size_0:
called_computation_lowered:
.L_overlay_start_0:
0x88: {  	s2 =	sld [smem:$0x3FD9]  }
0x89: {  	s3 =	sld [smem:$0x3FFE];
	_ =	sdelay $0x1  }
0x8a: {  	s1 =	srdreg.scid  }
0x8b: {  	s0 =	sand.u32 $0x1, s1  }
0x8c: {  	s14 =	sshll.u32 s0, $0xA;
	s2 =	sadd.s32 s3, s2  }
0x8d: {  	s2 =	sadd.s32 s2, s14  }
0x8e: {  	[smem:$0x3FC6] =	sst s2  }
0x8f: {  	_ = 	snop  }
0x90: {  	s2 =	sld [smem:$0x3FD0];
	_ =	sdelay $0x2  }
0x91: {  	s15 =	simm.s32 $0xA;
	s4 =	simm.s32 $0x10  }
0x92: {  	[smem:s4], [sflag:s15] =	dma.local [hbm:s2], $0x1  }
0x93: {  	_ =	swait.eq [sflag:s15], $0x1  }
0x94: {  	[sflag:s15] =	ssyncset.done $0x0  }
0x95: {  	[sflag:s15] =	ssyncadd.s32 $0xFFFFFFFF  }
0x96: {  	s16 =	sld [smem:$0x10];
	(tm) =	ssettm $0x1  }
0x97: {  	s17 =	sld [smem:$0x3FFB];
	_ =	sdelay $0x3  }
0x98: {  	_ =	strace s17  }
0x99: {  	s3 =	sld [smem:$0x3FFC];
	_ =	sdelay $0x3  }
0x9a: {  	_ =	strace s3  }
0x9b: {  	s3 =	sld [smem:$0x3FFD];
	_ =	sdelay $0x3  }
0x9c: {  	_ =	strace s3  }
0x9d: {  	_ =	strace $0x8FFFFFFF  }
0x9e: {  	s18 =	sld [smem:$0x3FDB];
	_ =	sdelay $0x1  }
0x9f: {  	s19 =	simm.s32 $_scs_section_size  }
0xa0: {  	s5 =	simm.s32 $_size__tile_overlayer_lowered;
	s6 =	simm.s32 $_tile_overlayer_lowered  }
0xa1: {  	s22 =	simm.s32 $0x1BFF;
	s21 =	sshll.u32 s6, $0x1;
	s3 =	sadd.s32 s19, s18  }
0xa2: {  	s7 =	simm.s32 $0x0;
	s20 =	sshll.u32 s5, $0x1;
	s5 =	sadd.s32 s21, s3  }
0xa3: {  	[timem:s7], [sflag:s22] =	dma.local [hbm:s5], s20  }
0xa4: {  	_ =	swait.ge [sflag:s22], s20  }
0xa5: {  	s4 =	ssub.s32 $0x0, s20;
	[sflag:s22] =	ssyncset.done $0x0  }
0xa6: {  	[sflag:s22] =	ssyncadd.s32 s4;
	_ =	sdelay $0x1  }
0xa7: {  	s23 =	simm.s32 $0x1B8B  }
0xa8: {  	_ =	swait.ge [sflag:s23], $0x1  }
0xa9: {  	[sflag:s23] =	ssyncset.done $0x0  }
0xaa: {  	s25 =	simm.s32 $0x1B8E;
	s24 =	sld [smem:$0x3FFE];
	[sflag:s23] =	ssyncadd.s32 $0xFFFFFFFF  }
0xab: {  	s26 =	simm.s32 $execute0_lowered;
	[smem:$0x3FD2] =	sst s25  }
0xac: {  	s5 =	sshll.u32 s26, $0x1;
	_ =	strace $0x80000046;
	[dreg:$0x1] =	wrdreg $0xFFFFFFFF  }
0xad: {  	s28 =	simm.s32 $_size_execute0_lowered;
	s3 =	sadd.s32 s3, s5;
	[dreg:$0x0] =	wrdreg $0x0  }
0xae: {  	s5 =	sshll.u32 s28, $0x1;
	[dreg:$0x2] =	wrdreg s3  }
0xaf: {  	[dreg:$0x3] =	wrdreg s5  }
0xb0: {  	[dreg:$0x4] =	wrdreg $0xC0  }
0xb1: {  	_ =	task [dreg:s7], $0x5FFFF  }
0xb2: {  	[dreg:$0x1] =	wrdreg $0xFFFFFFFF  }
0xb3: {  	[dreg:$0x0] =	wrdreg $0x60  }
0xb4: {  	[dreg:$0x2] =	wrdreg s24  }
0xb5: {  	[dreg:$0x3] =	wrdreg s16  }
0xb6: {  	[dreg:$0x4] =	wrdreg $0x5B200  }
0xb7: {  	[dreg:$0x5] =	wrdreg $0x9  }
0xb8: {  	_ =	task.clear_ibuf [dreg:s7], $0x6FFFF;
	_ =	strace $0x90000046  }
0xb9: {  	s29 =	simm.s32 $0x9;
	_ =	strace $0x80000048  }
0xba: {  	_ =	swait.ge [sflag:s29], $0x1  }
0xbb: {  	[sflag:s29] =	ssyncadd.s32 $0xFFFFFFFF  }
0xbc: {  	_ =	strace $0x90000048  }
0xbd: {  	_ =	sfence  }
0xbe: {  	s30 =	sld [smem:$0x0];
	_ =	sdelay $0x2  }
0xbf: {  	s31 =	sshll.u32 s1, $0xD;
	s1 =	sshrl.u32 s1, $0x2  }
0xc0: {  	s3 =	sand.u32 $0x4000, s31;
	s1 =	sadd.s32 s1, s30  }
0xc1: {  	s0 =	sor.u32 s3, s0;
	s1 =	sshll.u32 s1, $0x11  }
0xc2: {  	s0 =	sor.u32 s1, s0  }
0xc3: {  	s0 =	sadd.s32 $0x8F2B, s0  }
0xc4: {  	[sflag:s0] =	ssyncadd.remote.s32 $0x1  }
0xc5: {  	_ =	sfence.sel $0xFFFF  }
0xc6: {  	[dreg:$0x0] =	wrdreg $0xFFFFFFFF;
	(pc) =	sbr.abs _section_cstart, $3  }
0xc7: {  	[dreg:$0x1] =	wrdreg $0xFFFFFFFF  }
0xc8: {  	_ =	task.clear_ibuf [dreg:s7], $0x2FFFF;
	_ =	strace $0x9FFFFFFF  }
0xc9: {  	(tm) =	ssettm $0x7FFFFFFF  }
tec
execute0_lowered:
.L_overlay_start_1:
0x0: {  	(tag) =	ssettag $0x1  }
0x1: {  	s17 =	rddreg [dreg:$0x0]  }
0x2: {  	s16 =	rddreg [dreg:$0x1];
	s1 =	srdreg.scid  }
0x3: {  	s0 =	stileid.u32;
	s2 =	rddreg [dreg:$0x2]  }
0x4: {  	s3 =	simm.s32 $0x0;
	s18 =	sand.u32 $0x1, s1;
	s1 =	rddreg [dreg:$0x3]  }
0x5: {  	s4 =	sshll.u32 s0, $0x1;
	[smem:$0x7FF] =	sst s3  }
0x6: {  	s20 =	sshll.u32 s0, $0xD;
	s5 =	sadd.s32 $0x11800, s17;
	s21 =	sshll.u32 s0, $0x6  }
0x7: {  	s19 =	sor.u32 s18, s4;
	_ =	strace $0x80000047;
	s7 =	sadd.s32 s20, s2  }
0x8: {  	s6 =	sor.u32 $0x1C02, s21;
	s4 =	smul.u32 $0x24, s19;
	s7 =	sshrl.u32 s7, $0x3  }
0x9: {  	[spmem:s7], [sflag:s6] =	dma.local [hbm:s5], $0x400  }
0xa: {  	s8 =	simm.s32 $0x4920;
	s9 =	sadd.s32 s4, s17;
	s4 =	sadd.s32 $0x11C00, s17  }
0xb: {  	[tilespmem:s8], [sflag:$0x3] =	stream.linear.gather [hbm4b:s4+s3], $0x1200, $0x38;
	[tilespmem:$0x7B20] =	vst v63  }
0xc: {  	s10 =	simm.s32 $0x5;
	s9 =	sadd.s32 $0x11200, s9  }
0xd: {  	[tilespmem:s3], [sflag:$0x5] =	stream.linear.gather [hbm4b:s9+s3], $0x120, $0x38;
	[tilespmem:$0x7B20] =	vst v63  }
0xe: {  	_ =	swait.ge [sflag:s10], $0x120  }
0xf: {  	s12 =	simm.s32 $0x120;
	[sflag:s10] =	ssyncset.done $0x0  }
0x10: {  	s13 =	simm.s32 $0x2;
	s11 =	sadd.s32 $0x1200, s17;
	[sflag:s10] =	ssyncadd.s32 $0xFFFFFEE0  }
0x11: {  	[tilespmem:s12], [sflag:$0x1] =	stream.indirect.gather [hbm4b:s11+s12], $0x40, s3, s12, $0xb8;
	[tilespmem:$0x7B20] =	vst v63  }
0x12: {  	_ =	swait.ge [sflag:s13], $0x400  }
0x13: {  	[sflag:s13] =	ssyncset.done $0x0  }
0x14: {  	s14 =	simm.s32 $0x3;
	[sflag:s13] =	ssyncadd.s32 $0xFFFFFC00  }
0x15: {  	_ =	swait.ge [sflag:s14], $0x1200  }
0x16: {  	[sflag:s14] =	ssyncset.done $0x0  }
0x17: {  	[sflag:s14] =	ssyncadd.s32 $0xFFFFEE00  }
0x18: {  	s15 =	simm.s32 $0x1;
	[bflag:$0x0] =	sbarrier.arrive $0xFFFF  }
0x19: {  	s19 =	smul.u32 $0x900, s19;
	_ =	swait.ge [sflag:s15], $0x4800  }
0x1a: {  	[sflag:s15] =	ssyncset.done $0x0  }
0x1b: {  	s29 =	sshll.u32 s18, $0x11;
	s16 =	sadd.s32 s16, s19;
	[sflag:s15] =	ssyncadd.s32 $0xFFFFB800  }
0x1c: {  	[hbm4b:s16+s3] =	stream.linear.scatter [tilespmem:s12], [sflag:$0x4], $0x4800, $0x38;
	[tilespmem:$0x7B20] =	vst v63  }
0x1d: {  	s30 =	ssub.s32 $0x2, s18;
	s19 =	sor.u32 s20, s29  }
0x1e: {  	[spmem:s2] =	stream.indirect.scatter.add.f32 [tilespmem:s8], [sflag:$0x5], $0x10, s3, s12, $0xb8;
	[tilespmem:$0x7B20] =	vst v63  }
0x1f: {  	s31 =	sshrl.u32 s30, $0x1;
	s19 =	sshrl.u32 s19, $0x3;
	_ =	swait.ge [sflag:s10], $0x1200  }
0x20: {  	s17 =	sadd.s32 s19, s17;
	s19 =	ssub.s32 s30, s31;
	[sflag:s10] =	ssyncset.done $0x0  }
0x21: {  	s18 =	sor.u32 $0x1C05, s21;
	s20 =	smax.u32 s19, $0x1;
	[sflag:s10] =	ssyncadd.s32 $0xFFFFEE00  }
0x22: {  	s17 =	sadd.s32 $0x12000, s17;
	p0 =	sne.s32 s20, $0x1;
	[bflag:$0x0] =	sbarrier.arrive $0xFFFF  }
0x23: {  	[hbm:s17], [sflag:s18] =	dma.local [spmem:s7], $0x400  }
.Ltmp0:
0x24: {  	_ =	swait.ge [sflag:s10], $0x400;
	(pc) =	sbr.rel @!p0 .LBB2_2-.Ltmp0, $4  }
0x25: {  	[sflag:s10] =	ssyncset.done $0x0  }
0x26: {  	s19 =	simm.s32 $0x4;
	[sflag:s10] =	ssyncadd.s32 $0xFFFFFC00  }
0x27: {  	_ =	swait.ge [sflag:s19], $0x4800  }
0x28: {  	s20 =	sadd.s32 $0xFFFFFFFF, s20;
	[sflag:s19] =	ssyncset.done $0x0  }
.LBB2_1:
0x29: {  	p0 =	sne.s32 s20, $0x1;
	s20 =	sadd.s32 $0xFFFFFFFF, s20;
	[sflag:s19] =	ssyncadd.s32 $0xFFFFB800  }
0x2a: {  	[spmem:s7], [sflag:s6] =	dma.local [hbm:s5], $0x400  }
0x2b: {  	[tilespmem:s8], [sflag:$0x3] =	stream.linear.gather [hbm4b:s4+s3], $0x1200, $0x38;
	[tilespmem:$0x7B20] =	vst v63  }
0x2c: {  	_ = 	snop  }
0x2d: {  	[tilespmem:s3], [sflag:$0x5] =	stream.linear.gather [hbm4b:s9+s3], $0x120, $0x38;
	[tilespmem:$0x7B20] =	vst v63  }
0x2e: {  	_ =	swait.ge [sflag:s10], $0x120  }
0x2f: {  	[sflag:s10] =	ssyncset.done $0x0  }
0x30: {  	[sflag:s10] =	ssyncadd.s32 $0xFFFFFEE0  }
0x31: {  	[tilespmem:s12], [sflag:$0x1] =	stream.indirect.gather [hbm4b:s11+s12], $0x40, s3, s12, $0xb8;
	[tilespmem:$0x7B20] =	vst v63  }
0x32: {  	_ =	swait.ge [sflag:s13], $0x400  }
0x33: {  	[sflag:s13] =	ssyncset.done $0x0  }
0x34: {  	[sflag:s13] =	ssyncadd.s32 $0xFFFFFC00  }
0x35: {  	_ =	swait.ge [sflag:s14], $0x1200  }
0x36: {  	[sflag:s14] =	ssyncset.done $0x0  }
0x37: {  	[sflag:s14] =	ssyncadd.s32 $0xFFFFEE00  }
0x38: {  	[bflag:$0x0] =	sbarrier.arrive $0xFFFF  }
0x39: {  	_ =	swait.ge [sflag:s15], $0x4800  }
0x3a: {  	[sflag:s15] =	ssyncset.done $0x0  }
0x3b: {  	[sflag:s15] =	ssyncadd.s32 $0xFFFFB800  }
0x3c: {  	[hbm4b:s16+s3] =	stream.linear.scatter [tilespmem:s12], [sflag:$0x4], $0x4800, $0x38;
	[tilespmem:$0x7B20] =	vst v63  }
0x3d: {  	_ = 	snop  }
0x3e: {  	[spmem:s2] =	stream.indirect.scatter.add.f32 [tilespmem:s8], [sflag:$0x5], $0x10, s3, s12, $0xb8;
	[tilespmem:$0x7B20] =	vst v63  }
0x3f: {  	_ =	swait.ge [sflag:s10], $0x1200  }
0x40: {  	[sflag:s10] =	ssyncset.done $0x0  }
0x41: {  	[sflag:s10] =	ssyncadd.s32 $0xFFFFEE00  }
0x42: {  	[bflag:$0x0] =	sbarrier.arrive $0xFFFF  }
0x43: {  	[hbm:s17], [sflag:s18] =	dma.local [spmem:s7], $0x400  }
.Ltmp1:
0x44: {  	_ =	swait.ge [sflag:s10], $0x400;
	(pc) =	sbr.rel @p0 .LBB2_1-.Ltmp1, $4  }
0x45: {  	[sflag:s10] =	ssyncset.done $0x0  }
0x46: {  	[sflag:s10] =	ssyncadd.s32 $0xFFFFFC00  }
0x47: {  	_ =	swait.ge [sflag:s19], $0x4800  }
0x48: {  	[sflag:s19] =	ssyncset.done $0x0  }
.LBB2_2:
0x49: {  	[sflag:s19] =	ssyncadd.s32 $0xFFFFB800  }
0x4a: {  	_ =	sfence.sel $0x180000  }
0x4b: {  	[bflag:$0x0] =	sbarrier.arrive $0xFFFF  }
0x4c: {  	p0 =	sne.s32 s0, $0x0;
	_ =	strace $0x90000047  }
0x4d: {  	s0 =	sadd.s32 @!p0 $0x100000, s1;
	[bflag:$0x2] =	sbarrier.arrive $0xFFFF  }
0x4e: {  	[sflag:s0] =	ssyncadd.tile.s32 @!p0 $0x1;
	_ =	shalt  }
.Lfunc_end2:
_tile_overlayer_lowered:
.L_overlay_start_2:
0x4f: {  	(tag) =	ssettag $0x2  }
0x50: {  	s0 =	rddreg [dreg:$0x0];
	s2 =	stileid.u32  }
0x51: {  	s1 =	rddreg [dreg:$0x1];
	p0 =	sne.s32 s2, $0x0  }
0x52: {  	s3 =	rddreg [dreg:$0x2];
	[bflag:$0x3] =	sbarrier.arrive $0xFFFF;
	s2 =	simm.s32 @!p0 $0x1C05  }
0x53: {  	[timem:s3], [sflag:s2] =	dma.local @!p0 [hbm:s0], s1  }
0x54: {  	s0 =	simm.s32 @!p0 $0x5  }
0x55: {  	_ =	swait.ge @!p0 [sflag:s0], s1  }
0x56: {  	s1 =	ssub.s32 @!p0 $0x0, s1;
	[sflag:s0] =	ssyncset.done @!p0 $0x0  }
0x57: {  	[sflag:s0] =	ssyncadd.s32 @!p0 s1  }
0x58: {  	[bflag:$0x3] =	sbarrier.arrive $0xFFFF  }
0x59: {  	_ =	shalt  }

</sc_bundles>
